<compile_context>
chip_gen: v7x
topology: tpu7x:2x2x1
jax: 0.10.2.dev20260603
libtpu: 0.0.44.dev20260713+nightly
codegen_flags: <defaults>
</compile_context>

<pallas_src>
import functools

import jax
import jax.numpy as jnp
from jax import lax
from jax.experimental import pallas as pl
from jax.experimental.pallas import tpu as pltpu
from jax.experimental.pallas import tpu_sc as plsc

NC = 2
NS = 16
NW = NC * NS

B = 4096
S = 200
E = 32
HIDDEN = 256
NUM_CLASSES = 64

RPW = B // NW
S0, S1 = 128, S - 128


def _pool_body(ids_hbm, table_hbm, out_hbm, ids_v, buf0, buf1, out_v, sem0, sem1):
    wid = lax.axis_index("s") * NC + lax.axis_index("c")
    base = wid * RPW
    pltpu.sync_copy(ids_hbm.at[pl.ds(base, RPW)], ids_v)

    def issue(r, buf, sem):
        pltpu.async_copy(table_hbm.at[ids_v.at[r, pl.ds(0, S0)]],
                         buf.at[pl.ds(0, S0)], sem)
        pltpu.async_copy(table_hbm.at[ids_v.at[r, pl.ds(S0, S1)]],
                         buf.at[pl.ds(S0, S1)], sem)

    def drain(buf, sem):
        pltpu.make_async_copy(table_hbm.at[pl.ds(0, S)], buf, sem).wait()

    def reduce_store(r, buf):
        def rbody(j, accs):
            a0, a1 = accs
            return a0 + buf[j, 0:16], a1 + buf[j, 16:32]
        z = jnp.zeros((16,), jnp.float32)
        a0, a1 = lax.fori_loop(0, S, rbody, (z, z), unroll=8)
        scale = jnp.float32(1.0 / S)
        out_v[r, 0:16] = a0 * scale
        out_v[r, 16:32] = a1 * scale

    issue(0, buf0, sem0)

    def body(i, carry):
        a = 2 * i
        b = a + 1
        issue(b, buf1, sem1)
        drain(buf0, sem0)
        reduce_store(a, buf0)

        @pl.when(a + 2 < RPW)
        def _():
            issue(a + 2, buf0, sem0)

        drain(buf1, sem1)
        reduce_store(b, buf1)
        return carry

    lax.fori_loop(0, RPW // 2, body, 0)
    pltpu.sync_copy(out_v, out_hbm.at[pl.ds(base, RPW)])


@jax.jit
def _pool(ids, table):
    mesh = plsc.VectorSubcoreMesh(core_axis_name="c", subcore_axis_name="s",
                                  num_cores=NC, num_subcores=NS)
    kfn = pl.kernel(
        _pool_body,
        out_type=jax.ShapeDtypeStruct((B, E), jnp.float32),
        mesh=mesh,
        scratch_types=[
            pltpu.VMEM((RPW, S), jnp.int32),
            pltpu.VMEM((S, E), jnp.float32),
            pltpu.VMEM((S, E), jnp.float32),
            pltpu.VMEM((RPW, E), jnp.float32),
            pltpu.SemaphoreType.DMA,
            pltpu.SemaphoreType.DMA,
        ],
        compiler_params=pltpu.CompilerParams(use_tc_tiling_on_sc=False),
    )
    return kfn(ids, table)


def _mlp_body(x_ref, w1_ref, b1_ref, w2_ref, b2_ref, out_ref, relu_ref):
    h = jnp.dot(x_ref[...], w1_ref[...], preferred_element_type=jnp.float32)
    h = jnp.maximum(h + b1_ref[...], 0.0)
    relu_ref[...] = h
    out_ref[...] = (jnp.dot(h, w2_ref[...], preferred_element_type=jnp.float32)
                    + b2_ref[...])


@jax.jit
def _mlp(x, w1, b1, w2, b2):
    blk = 512
    grid = B // blk
    return pl.pallas_call(
        _mlp_body,
        grid=(grid,),
        in_specs=[
            pl.BlockSpec((blk, E), lambda i: (i, 0)),
            pl.BlockSpec((E, HIDDEN), lambda i: (0, 0)),
            pl.BlockSpec((1, HIDDEN), lambda i: (0, 0)),
            pl.BlockSpec((HIDDEN, NUM_CLASSES), lambda i: (0, 0)),
            pl.BlockSpec((1, NUM_CLASSES), lambda i: (0, 0)),
        ],
        out_specs=[
            pl.BlockSpec((blk, NUM_CLASSES), lambda i: (i, 0)),
            pl.BlockSpec((blk, HIDDEN), lambda i: (i, 0)),
        ],
        out_shape=[
            jax.ShapeDtypeStruct((B, NUM_CLASSES), jnp.float32),
            jax.ShapeDtypeStruct((B, HIDDEN), jnp.float32),
        ],
    )(x, w1, b1, w2, b2)


def kernel(input_ids, label, attention_mask, emb_table, W1, b1, W2, b2):
    ids = input_ids.astype(jnp.int32)
    flat = lax.optimization_barrier(emb_table.reshape(-1))
    pooled = _pool(ids, flat.reshape(emb_table.shape))
    out, out_relu = _mlp(pooled, W1, b1.reshape(1, HIDDEN),
                         W2, b2.reshape(1, NUM_CLASSES))
    return out, out_relu

# --- scband reference (transcript-rebuilt; emitter-appended) ---
"""Pipeline reference for scband-fast-text-75935021793893 (READ-ONLY COPY).

The authoritative reference and input builder live on the scoring server;
editing this copy changes nothing except your own understanding.
"""

import jax, jax.numpy as jnp
import numpy as np

N_VOCAB = 1000000
EMBED = 32
HIDDEN = 256
NUM_CLASSES = 64
BATCH = 4096
SEQ = 200

def setup_inputs(seed: int = 0) -> dict:
    key = jax.random.key(seed)
    k1, k2, k3, k4, k5, k6, k7 = jax.random.split(key, 7)
    input_ids = jax.random.randint(k1, (BATCH, SEQ), 0, 999999, dtype=jnp.int64 if jax.config.jax_enable_x64 else jnp.int32)
    label = jax.random.randint(k2, (BATCH,), 0, NUM_CLASSES, dtype=jnp.int64 if jax.config.jax_enable_x64 else jnp.int32)
    attention_mask = jnp.ones((BATCH, SEQ), dtype=jnp.float32)
    emb_table = jax.random.normal(k3, (N_VOCAB, EMBED), dtype=jnp.float32)
    # padding_idx = n_vocab - 1 -> zero row at init
    emb_table = emb_table.at[N_VOCAB - 1].set(0.0)
    lim1 = 1.0 / np.sqrt(EMBED)
    W1 = jax.random.uniform(k4, (EMBED, HIDDEN), minval=-lim1, maxval=lim1, dtype=jnp.float32)
    b1 = jax.random.uniform(k5, (HIDDEN,), minval=-lim1, maxval=lim1, dtype=jnp.float32)
    lim2 = 1.0 / np.sqrt(HIDDEN)
    W2 = jax.random.uniform(k6, (HIDDEN, NUM_CLASSES), minval=-lim2, maxval=lim2, dtype=jnp.float32)
    b2 = jax.random.uniform(k7, (NUM_CLASSES,), minval=-lim2, maxval=lim2, dtype=jnp.float32)
    return {"input_ids": input_ids, "label": label, "attention_mask": attention_mask,
            "emb_table": emb_table, "W1": W1, "b1": b1, "W2": W2, "b2": b2}

def reference(input_ids, label, attention_mask, emb_table, W1, b1, W2, b2):
    # embedding lookup (gather)
    out = jnp.take(emb_table, input_ids, axis=0)  # [B, S, E]
    out = out.mean(axis=1)  # [B, E]
    # dropout is identity in eval mode
    out = out @ W1 + b1  # fc1
    out_relu = jax.nn.relu(out)
    out = out_relu @ W2 + b2  # fc2
    return (out, out_relu)

if __name__ == "__main__":
    import jax
    _d = setup_inputs()
    print(jax.jit(kernel)(*tuple(_d.values())))

</pallas_src>

<mosaic_0001>
#map = affine_map<(d0, d1) -> (0, 0)>
module attributes {stable_mosaic.version = 14 : i64} {
  func.func @_pool_body(%arg0: i32, %arg1: i32, %arg2: memref<4096x200xi32, #tpu.memory_space<hbm>>, %arg3: memref<1000000x32xf32, #tpu.memory_space<hbm>>, %arg4: memref<4096x32xf32, #tpu.memory_space<hbm>>, %arg5: memref<128x200xi32, #tpu.memory_space<vmem>>, %arg6: memref<200x32xf32, #tpu.memory_space<vmem>>, %arg7: memref<200x32xf32, #tpu.memory_space<vmem>>, %arg8: memref<128x32xf32, #tpu.memory_space<vmem>>, %arg9: memref<!tpu.dma_semaphore, #tpu.memory_space<semaphore_mem>>, %arg10: memref<!tpu.dma_semaphore, #tpu.memory_space<semaphore_mem>>) attributes {dimension_semantics = [#tpu.dimension_semantics<core_parallel>, #tpu.dimension_semantics<subcore_parallel>], iteration_bounds = array<i64: 2, 16>, scalar_prefetch = 0 : i64, scratch_operands = 6 : i64, tpu.core_type = #tpu.core_type<sc_vector_subcore>, window_params = [{transform_indices = #map}, {transform_indices = #map}, {transform_indices = #map}]} {
    %mul3A = arith.constant 2 : i32
    %mul3A_0 = arith.muli %arg1, %mul3A : i32
    %add3A = arith.addi %mul3A_0, %arg0 : i32
    %mul3A_1 = arith.constant 128 : i32
    %mul3A_2 = arith.muli %add3A, %mul3A_1 : i32
    "tpu.region"() ({
      %run_scoped3A = tpu.sem_alloc : memref<!tpu.dma_semaphore, #tpu.memory_space<semaphore_mem>>
      %dma_start3A_27 = arith.constant 0 : i32
      %dma_start3A_28 = tpu.memref_slice %arg2[%mul3A_2, %dma_start3A_27] : memref<4096x200xi32, #tpu.memory_space<hbm>> -> memref<128x200xi32, #tpu.memory_space<hbm>>
      %dma_start3A_29 = arith.constant 0 : i32
      %dma_start3A_30 = tpu.memref_slice %arg2[%mul3A_2, %dma_start3A_29] : memref<4096x200xi32, #tpu.memory_space<hbm>> -> memref<128x200xi32, #tpu.memory_space<hbm>>
      tpu.enqueue_dma source(%dma_start3A_30 : memref<128x200xi32, #tpu.memory_space<hbm>>) target(%arg5 : memref<128x200xi32, #tpu.memory_space<vmem>>) target_semaphore(%run_scoped3A : memref<!tpu.dma_semaphore, #tpu.memory_space<semaphore_mem>>)
      %dma_wait3A = arith.constant 0 : i32
      %dma_wait3A_31 = tpu.memref_slice %arg2[%mul3A_2, %dma_wait3A] : memref<4096x200xi32, #tpu.memory_space<hbm>> -> memref<128x200xi32, #tpu.memory_space<hbm>>
      %dma_wait3A_32 = arith.constant 0 : i32
      %dma_wait3A_33 = tpu.memref_slice %arg2[%mul3A_2, %dma_wait3A_32] : memref<4096x200xi32, #tpu.memory_space<hbm>> -> memref<128x200xi32, #tpu.memory_space<hbm>>
      tpu.wait_dma2 semaphore(%run_scoped3A : memref<!tpu.dma_semaphore, #tpu.memory_space<semaphore_mem>>) src(%dma_wait3A_33 : memref<128x200xi32, #tpu.memory_space<hbm>>) dst(%arg5 : memref<128x200xi32, #tpu.memory_space<vmem>>)
      tpu.yield
    }) : () -> ()
    %dma_start3A = arith.constant 0 : i32
    %dma_start3A_3 = arith.constant 0 : i32
    %dma_start3A_4 = arith.constant 0 : i32
    %dma_start3A_5 = tpu.memref_slice %arg6[%dma_start3A_3, %dma_start3A_4] : memref<200x32xf32, #tpu.memory_space<vmem>> -> memref<128x32xf32, #tpu.memory_space<vmem>>
    %dma_start3A_6 = arith.constant 0 : i32
    %dma_start3A_7 = tpu.memref_slice %arg5[%dma_start3A, %dma_start3A_6] : memref<128x200xi32, #tpu.memory_space<vmem>> -> memref<1x128xi32, #tpu.memory_space<vmem>>
    %dma_start3A_8 = tpu.memref_squeeze %dma_start3A_7 : memref<1x128xi32, #tpu.memory_space<vmem>> -> memref<128xi32, #tpu.memory_space<vmem>>
    %dma_start3A_9 = arith.constant 0 : i32
    %dma_start3A_10 = arith.constant 0 : i32
    %dma_start3A_11 = tpu.memref_slice %arg3[%dma_start3A_9, %dma_start3A_10] : memref<1000000x32xf32, #tpu.memory_space<hbm>> -> memref<1000000x32xf32, #tpu.memory_space<hbm>>
    tpu.enqueue_indirect_dma source(%dma_start3A_11 : memref<1000000x32xf32, #tpu.memory_space<hbm>>) target(%dma_start3A_5 : memref<128x32xf32, #tpu.memory_space<vmem>>) offsets(%dma_start3A_8 : memref<128xi32, #tpu.memory_space<vmem>>) semaphore(%arg9 : memref<!tpu.dma_semaphore, #tpu.memory_space<semaphore_mem>>)
    %dma_start3A_12 = arith.constant 0 : i32
    %dma_start3A_13 = arith.constant 128 : i32
    %dma_start3A_14 = arith.constant 0 : i32
    %dma_start3A_15 = tpu.memref_slice %arg6[%dma_start3A_13, %dma_start3A_14] : memref<200x32xf32, #tpu.memory_space<vmem>> -> memref<72x32xf32, #tpu.memory_space<vmem>>
    %dma_start3A_16 = arith.constant 128 : i32
    %dma_start3A_17 = tpu.memref_slice %arg5[%dma_start3A_12, %dma_start3A_16] : memref<128x200xi32, #tpu.memory_space<vmem>> -> memref<1x72xi32, #tpu.memory_space<vmem>>
    %dma_start3A_18 = tpu.memref_squeeze %dma_start3A_17 : memref<1x72xi32, #tpu.memory_space<vmem>> -> memref<72xi32, #tpu.memory_space<vmem>>
    %dma_start3A_19 = arith.constant 0 : i32
    %dma_start3A_20 = arith.constant 0 : i32
    %dma_start3A_21 = tpu.memref_slice %arg3[%dma_start3A_19, %dma_start3A_20] : memref<1000000x32xf32, #tpu.memory_space<hbm>> -> memref<1000000x32xf32, #tpu.memory_space<hbm>>
    tpu.enqueue_indirect_dma source(%dma_start3A_21 : memref<1000000x32xf32, #tpu.memory_space<hbm>>) target(%dma_start3A_15 : memref<72x32xf32, #tpu.memory_space<vmem>>) offsets(%dma_start3A_18 : memref<72xi32, #tpu.memory_space<vmem>>) semaphore(%arg9 : memref<!tpu.dma_semaphore, #tpu.memory_space<semaphore_mem>>)
    %scan3A = arith.constant 0 : i32
    %scan3A_22 = arith.constant 0 : i32
    %scan3A_23 = arith.constant 64 : i32
    %scan3A_24 = arith.addi %scan3A_22, %scan3A_23 : i32
    %scan3A_25 = arith.constant 1 : i32
    scf.for %scan3A_27 = %scan3A_22 to %scan3A_24 step %scan3A_25  : i32 {
      %mul3A_28 = arith.constant 2 : i32
      %mul3A_29 = arith.muli %mul3A_28, %scan3A_27 : i32
      %add3A_30 = arith.constant 1 : i32
      %add3A_31 = arith.addi %mul3A_29, %add3A_30 : i32
      %dma_start3A_32 = arith.constant 0 : i32
      %dma_start3A_33 = arith.constant 0 : i32
      %dma_start3A_34 = tpu.memref_slice %arg7[%dma_start3A_32, %dma_start3A_33] : memref<200x32xf32, #tpu.memory_space<vmem>> -> memref<128x32xf32, #tpu.memory_space<vmem>>
      %dma_start3A_35 = arith.constant 0 : i32
      %dma_start3A_36 = tpu.memref_slice %arg5[%add3A_31, %dma_start3A_35] : memref<128x200xi32, #tpu.memory_space<vmem>> -> memref<1x128xi32, #tpu.memory_space<vmem>>
      %dma_start3A_37 = tpu.memref_squeeze %dma_start3A_36 : memref<1x128xi32, #tpu.memory_space<vmem>> -> memref<128xi32, #tpu.memory_space<vmem>>
      %dma_start3A_38 = arith.constant 0 : i32
      %dma_start3A_39 = arith.constant 0 : i32
      %dma_start3A_40 = tpu.memref_slice %arg3[%dma_start3A_38, %dma_start3A_39] : memref<1000000x32xf32, #tpu.memory_space<hbm>> -> memref<1000000x32xf32, #tpu.memory_space<hbm>>
      tpu.enqueue_indirect_dma source(%dma_start3A_40 : memref<1000000x32xf32, #tpu.memory_space<hbm>>) target(%dma_start3A_34 : memref<128x32xf32, #tpu.memory_space<vmem>>) offsets(%dma_start3A_37 : memref<128xi32, #tpu.memory_space<vmem>>) semaphore(%arg10 : memref<!tpu.dma_semaphore, #tpu.memory_space<semaphore_mem>>)
      %dma_start3A_41 = arith.constant 128 : i32
      %dma_start3A_42 = arith.constant 0 : i32
      %dma_start3A_43 = tpu.memref_slice %arg7[%dma_start3A_41, %dma_start3A_42] : memref<200x32xf32, #tpu.memory_space<vmem>> -> memref<72x32xf32, #tpu.memory_space<vmem>>
      %dma_start3A_44 = arith.constant 128 : i32
      %dma_start3A_45 = tpu.memref_slice %arg5[%add3A_31, %dma_start3A_44] : memref<128x200xi32, #tpu.memory_space<vmem>> -> memref<1x72xi32, #tpu.memory_space<vmem>>
      %dma_start3A_46 = tpu.memref_squeeze %dma_start3A_45 : memref<1x72xi32, #tpu.memory_space<vmem>> -> memref<72xi32, #tpu.memory_space<vmem>>
      %dma_start3A_47 = arith.constant 0 : i32
      %dma_start3A_48 = arith.constant 0 : i32
      %dma_start3A_49 = tpu.memref_slice %arg3[%dma_start3A_47, %dma_start3A_48] : memref<1000000x32xf32, #tpu.memory_space<hbm>> -> memref<1000000x32xf32, #tpu.memory_space<hbm>>
      tpu.enqueue_indirect_dma source(%dma_start3A_49 : memref<1000000x32xf32, #tpu.memory_space<hbm>>) target(%dma_start3A_43 : memref<72x32xf32, #tpu.memory_space<vmem>>) offsets(%dma_start3A_46 : memref<72xi32, #tpu.memory_space<vmem>>) semaphore(%arg10 : memref<!tpu.dma_semaphore, #tpu.memory_space<semaphore_mem>>)
      %dma_wait3A = arith.constant 0 : i32
      %dma_wait3A_50 = arith.constant 0 : i32
      %dma_wait3A_51 = tpu.memref_slice %arg3[%dma_wait3A, %dma_wait3A_50] : memref<1000000x32xf32, #tpu.memory_space<hbm>> -> memref<200x32xf32, #tpu.memory_space<hbm>>
      %dma_wait3A_52 = arith.constant 0 : i32
      %dma_wait3A_53 = arith.constant 0 : i32
      %dma_wait3A_54 = tpu.memref_slice %arg3[%dma_wait3A_52, %dma_wait3A_53] : memref<1000000x32xf32, #tpu.memory_space<hbm>> -> memref<200x32xf32, #tpu.memory_space<hbm>>
      tpu.wait_dma2 semaphore(%arg9 : memref<!tpu.dma_semaphore, #tpu.memory_space<semaphore_mem>>) src(%dma_wait3A_54 : memref<200x32xf32, #tpu.memory_space<hbm>>) dst(%arg6 : memref<200x32xf32, #tpu.memory_space<vmem>>)
      %broadcast_in_dim3A = arith.constant 0.000000e+00 : f32
      %broadcast_in_dim3A_55 = vector.broadcast %broadcast_in_dim3A : f32 to vector<16xf32>
      %scan3A_56 = arith.constant 0 : i32
      %scan3A_57 = arith.constant 200 : i32
      %scan3A_58 = arith.addi %scan3A_56, %scan3A_57 : i32
      %scan3A_59 = arith.constant 8 : i32
      %scan3A_60:2 = scf.for %scan3A_111 = %scan3A_56 to %scan3A_58 step %scan3A_59 iter_args(%scan3A_112 = %broadcast_in_dim3A_55, %scan3A_113 = %broadcast_in_dim3A_55) -> (vector<16xf32>, vector<16xf32>)  : i32 {
        %get3A = arith.index_cast %scan3A_111 : i32 to index
        %get3A_114 = arith.constant 0 : index
        %get3A_115 = tpu.vector_load %arg6[%get3A, %get3A_114] {strides = array<i32>} : memref<200x32xf32, #tpu.memory_space<vmem>>, vector<1x16xf32>,
        %get3A_116 = vector.shape_cast %get3A_115 : vector<1x16xf32> to vector<16xf32>
        %add3A_117 = arith.addf %scan3A_112, %get3A_116 : vector<16xf32>
        %get3A_118 = arith.index_cast %scan3A_111 : i32 to index
        %get3A_119 = arith.constant 16 : index
        %get3A_120 = tpu.vector_load %arg6[%get3A_118, %get3A_119] {strides = array<i32>} : memref<200x32xf32, #tpu.memory_space<vmem>>, vector<1x16xf32>,
        %get3A_121 = vector.shape_cast %get3A_120 : vector<1x16xf32> to vector<16xf32>
        %add3A_122 = arith.addf %scan3A_113, %get3A_121 : vector<16xf32>
        %scan3A_123 = arith.constant 1 : i32
        %scan3A_124 = arith.addi %scan3A_111, %scan3A_123 : i32
        %get3A_125 = arith.index_cast %scan3A_124 : i32 to index
        %get3A_126 = arith.constant 0 : index
        %get3A_127 = tpu.vector_load %arg6[%get3A_125, %get3A_126] {strides = array<i32>} : memref<200x32xf32, #tpu.memory_space<vmem>>, vector<1x16xf32>,
        %get3A_128 = vector.shape_cast %get3A_127 : vector<1x16xf32> to vector<16xf32>
        %add3A_129 = arith.addf %add3A_117, %get3A_128 : vector<16xf32>
        %get3A_130 = arith.index_cast %scan3A_124 : i32 to index
        %get3A_131 = arith.constant 16 : index
        %get3A_132 = tpu.vector_load %arg6[%get3A_130, %get3A_131] {strides = array<i32>} : memref<200x32xf32, #tpu.memory_space<vmem>>, vector<1x16xf32>,
        %get3A_133 = vector.shape_cast %get3A_132 : vector<1x16xf32> to vector<16xf32>
        %add3A_134 = arith.addf %add3A_122, %get3A_133 : vector<16xf32>
        %scan3A_135 = arith.constant 2 : i32
        %scan3A_136 = arith.addi %scan3A_111, %scan3A_135 : i32
        %get3A_137 = arith.index_cast %scan3A_136 : i32 to index
        %get3A_138 = arith.constant 0 : index
        %get3A_139 = tpu.vector_load %arg6[%get3A_137, %get3A_138] {strides = array<i32>} : memref<200x32xf32, #tpu.memory_space<vmem>>, vector<1x16xf32>,
        %get3A_140 = vector.shape_cast %get3A_139 : vector<1x16xf32> to vector<16xf32>
        %add3A_141 = arith.addf %add3A_129, %get3A_140 : vector<16xf32>
        %get3A_142 = arith.index_cast %scan3A_136 : i32 to index
        %get3A_143 = arith.constant 16 : index
        %get3A_144 = tpu.vector_load %arg6[%get3A_142, %get3A_143] {strides = array<i32>} : memref<200x32xf32, #tpu.memory_space<vmem>>, vector<1x16xf32>,
        %get3A_145 = vector.shape_cast %get3A_144 : vector<1x16xf32> to vector<16xf32>
        %add3A_146 = arith.addf %add3A_134, %get3A_145 : vector<16xf32>
        %scan3A_147 = arith.constant 3 : i32
        %scan3A_148 = arith.addi %scan3A_111, %scan3A_147 : i32
        %get3A_149 = arith.index_cast %scan3A_148 : i32 to index
        %get3A_150 = arith.constant 0 : index
        %get3A_151 = tpu.vector_load %arg6[%get3A_149, %get3A_150] {strides = array<i32>} : memref<200x32xf32, #tpu.memory_space<vmem>>, vector<1x16xf32>,
        %get3A_152 = vector.shape_cast %get3A_151 : vector<1x16xf32> to vector<16xf32>
        %add3A_153 = arith.addf %add3A_141, %get3A_152 : vector<16xf32>
        %get3A_154 = arith.index_cast %scan3A_148 : i32 to index
        %get3A_155 = arith.constant 16 : index
        %get3A_156 = tpu.vector_load %arg6[%get3A_154, %get3A_155] {strides = array<i32>} : memref<200x32xf32, #tpu.memory_space<vmem>>, vector<1x16xf32>,
        %get3A_157 = vector.shape_cast %get3A_156 : vector<1x16xf32> to vector<16xf32>
        %add3A_158 = arith.addf %add3A_146, %get3A_157 : vector<16xf32>
        %scan3A_159 = arith.constant 4 : i32
        %scan3A_160 = arith.addi %scan3A_111, %scan3A_159 : i32
        %get3A_161 = arith.index_cast %scan3A_160 : i32 to index
        %get3A_162 = arith.constant 0 : index
        %get3A_163 = tpu.vector_load %arg6[%get3A_161, %get3A_162] {strides = array<i32>} : memref<200x32xf32, #tpu.memory_space<vmem>>, vector<1x16xf32>,
        %get3A_164 = vector.shape_cast %get3A_163 : vector<1x16xf32> to vector<16xf32>
        %add3A_165 = arith.addf %add3A_153, %get3A_164 : vector<16xf32>
        %get3A_166 = arith.index_cast %scan3A_160 : i32 to index
        %get3A_167 = arith.constant 16 : index
        %get3A_168 = tpu.vector_load %arg6[%get3A_166, %get3A_167] {strides = array<i32>} : memref<200x32xf32, #tpu.memory_space<vmem>>, vector<1x16xf32>,
        %get3A_169 = vector.shape_cast %get3A_168 : vector<1x16xf32> to vector<16xf32>
        %add3A_170 = arith.addf %add3A_158, %get3A_169 : vector<16xf32>
        %scan3A_171 = arith.constant 5 : i32
        %scan3A_172 = arith.addi %scan3A_111, %scan3A_171 : i32
        %get3A_173 = arith.index_cast %scan3A_172 : i32 to index
        %get3A_174 = arith.constant 0 : index
        %get3A_175 = tpu.vector_load %arg6[%get3A_173, %get3A_174] {strides = array<i32>} : memref<200x32xf32, #tpu.memory_space<vmem>>, vector<1x16xf32>,
        %get3A_176 = vector.shape_cast %get3A_175 : vector<1x16xf32> to vector<16xf32>
        %add3A_177 = arith.addf %add3A_165, %get3A_176 : vector<16xf32>
        %get3A_178 = arith.index_cast %scan3A_172 : i32 to index
        %get3A_179 = arith.constant 16 : index
        %get3A_180 = tpu.vector_load %arg6[%get3A_178, %get3A_179] {strides = array<i32>} : memref<200x32xf32, #tpu.memory_space<vmem>>, vector<1x16xf32>,
        %get3A_181 = vector.shape_cast %get3A_180 : vector<1x16xf32> to vector<16xf32>
        %add3A_182 = arith.addf %add3A_170, %get3A_181 : vector<16xf32>
        %scan3A_183 = arith.constant 6 : i32
        %scan3A_184 = arith.addi %scan3A_111, %scan3A_183 : i32
        %get3A_185 = arith.index_cast %scan3A_184 : i32 to index
        %get3A_186 = arith.constant 0 : index
        %get3A_187 = tpu.vector_load %arg6[%get3A_185, %get3A_186] {strides = array<i32>} : memref<200x32xf32, #tpu.memory_space<vmem>>, vector<1x16xf32>,
        %get3A_188 = vector.shape_cast %get3A_187 : vector<1x16xf32> to vector<16xf32>
        %add3A_189 = arith.addf %add3A_177, %get3A_188 : vector<16xf32>
        %get3A_190 = arith.index_cast %scan3A_184 : i32 to index
        %get3A_191 = arith.constant 16 : index
        %get3A_192 = tpu.vector_load %arg6[%get3A_190, %get3A_191] {strides = array<i32>} : memref<200x32xf32, #tpu.memory_space<vmem>>, vector<1x16xf32>,
        %get3A_193 = vector.shape_cast %get3A_192 : vector<1x16xf32> to vector<16xf32>
        %add3A_194 = arith.addf %add3A_182, %get3A_193 : vector<16xf32>
        %scan3A_195 = arith.constant 7 : i32
        %scan3A_196 = arith.addi %scan3A_111, %scan3A_195 : i32
        %get3A_197 = arith.index_cast %scan3A_196 : i32 to index
        %get3A_198 = arith.constant 0 : index
        %get3A_199 = tpu.vector_load %arg6[%get3A_197, %get3A_198] {strides = array<i32>} : memref<200x32xf32, #tpu.memory_space<vmem>>, vector<1x16xf32>,
        %get3A_200 = vector.shape_cast %get3A_199 : vector<1x16xf32> to vector<16xf32>
        %add3A_201 = arith.addf %add3A_189, %get3A_200 : vector<16xf32>
        %get3A_202 = arith.index_cast %scan3A_196 : i32 to index
        %get3A_203 = arith.constant 16 : index
        %get3A_204 = tpu.vector_load %arg6[%get3A_202, %get3A_203] {strides = array<i32>} : memref<200x32xf32, #tpu.memory_space<vmem>>, vector<1x16xf32>,
        %get3A_205 = vector.shape_cast %get3A_204 : vector<1x16xf32> to vector<16xf32>
        %add3A_206 = arith.addf %add3A_194, %get3A_205 : vector<16xf32>
        scf.yield %add3A_201, %add3A_206 : vector<16xf32>, vector<16xf32>
      }
      %scan3A_61 = arith.constant 200 : i32
      %mul3A_62 = arith.constant 5.000000e-03 : f32
      %mul3A_63 = vector.broadcast %mul3A_62 : f32 to vector<16xf32>
      %mul3A_64 = arith.mulf %scan3A_60#0, %mul3A_63 : vector<16xf32>
      %swap3A = arith.index_cast %mul3A_29 : i32 to index
      %swap3A_65 = arith.constant 0 : index
      %swap3A_66 = tpu.vector_load %arg8[%swap3A, %swap3A_65] {strides = array<i32>} : memref<128x32xf32, #tpu.memory_space<vmem>>, vector<1x16xf32>,
      %swap3A_67 = vector.shape_cast %swap3A_66 : vector<1x16xf32> to vector<16xf32>
      %swap3A_68 = vector.shape_cast %mul3A_64 : vector<16xf32> to vector<1x16xf32>
      tpu.vector_store %arg8[%swap3A, %swap3A_65], %swap3A_68 {strides = array<i32>} : memref<128x32xf32, #tpu.memory_space<vmem>>, vector<1x16xf32>,
      %mul3A_69 = arith.constant 5.000000e-03 : f32
      %mul3A_70 = vector.broadcast %mul3A_69 : f32 to vector<16xf32>
      %mul3A_71 = arith.mulf %scan3A_60#1, %mul3A_70 : vector<16xf32>
      %swap3A_72 = arith.index_cast %mul3A_29 : i32 to index
      %swap3A_73 = arith.constant 16 : index
      %swap3A_74 = tpu.vector_load %arg8[%swap3A_72, %swap3A_73] {strides = array<i32>} : memref<128x32xf32, #tpu.memory_space<vmem>>, vector<1x16xf32>,
      %swap3A_75 = vector.shape_cast %swap3A_74 : vector<1x16xf32> to vector<16xf32>
      %swap3A_76 = vector.shape_cast %mul3A_71 : vector<16xf32> to vector<1x16xf32>
      tpu.vector_store %arg8[%swap3A_72, %swap3A_73], %swap3A_76 {strides = array<i32>} : memref<128x32xf32, #tpu.memory_space<vmem>>, vector<1x16xf32>,
      %add3A_77 = arith.constant 2 : i32
      %add3A_78 = arith.addi %mul3A_29, %add3A_77 : i32
      %lt3A = arith.constant 128 : i32
      %lt3A_79 = arith.cmpi slt, %add3A_78, %lt3A : i32
      %convert_element_type3A = arith.extui %lt3A_79 : i1 to i32
      %cond3A = arith.constant 0 : i32
      %cond3A_80 = arith.cmpi ne, %convert_element_type3A, %cond3A : i32
      scf.if %cond3A_80 {
        %add3A_111 = arith.constant 2 : i32
        %add3A_112 = arith.addi %mul3A_29, %add3A_111 : i32
        %dma_start3A_113 = arith.constant 0 : i32
        %dma_start3A_114 = arith.constant 0 : i32
        %dma_start3A_115 = tpu.memref_slice %arg6[%dma_start3A_113, %dma_start3A_114] : memref<200x32xf32, #tpu.memory_space<vmem>> -> memref<128x32xf32, #tpu.memory_space<vmem>>
        %dma_start3A_116 = arith.constant 0 : i32
        %dma_start3A_117 = tpu.memref_slice %arg5[%add3A_112, %dma_start3A_116] : memref<128x200xi32, #tpu.memory_space<vmem>> -> memref<1x128xi32, #tpu.memory_space<vmem>>
        %dma_start3A_118 = tpu.memref_squeeze %dma_start3A_117 : memref<1x128xi32, #tpu.memory_space<vmem>> -> memref<128xi32, #tpu.memory_space<vmem>>
        %dma_start3A_119 = arith.constant 0 : i32
        %dma_start3A_120 = arith.constant 0 : i32
        %dma_start3A_121 = tpu.memref_slice %arg3[%dma_start3A_119, %dma_start3A_120] : memref<1000000x32xf32, #tpu.memory_space<hbm>> -> memref<1000000x32xf32, #tpu.memory_space<hbm>>
        tpu.enqueue_indirect_dma source(%dma_start3A_121 : memref<1000000x32xf32, #tpu.memory_space<hbm>>) target(%dma_start3A_115 : memref<128x32xf32, #tpu.memory_space<vmem>>) offsets(%dma_start3A_118 : memref<128xi32, #tpu.memory_space<vmem>>) semaphore(%arg9 : memref<!tpu.dma_semaphore, #tpu.memory_space<semaphore_mem>>)
        %dma_start3A_122 = arith.constant 128 : i32
        %dma_start3A_123 = arith.constant 0 : i32
        %dma_start3A_124 = tpu.memref_slice %arg6[%dma_start3A_122, %dma_start3A_123] : memref<200x32xf32, #tpu.memory_space<vmem>> -> memref<72x32xf32, #tpu.memory_space<vmem>>
        %dma_start3A_125 = arith.constant 128 : i32
        %dma_start3A_126 = tpu.memref_slice %arg5[%add3A_112, %dma_start3A_125] : memref<128x200xi32, #tpu.memory_space<vmem>> -> memref<1x72xi32, #tpu.memory_space<vmem>>
        %dma_start3A_127 = tpu.memref_squeeze %dma_start3A_126 : memref<1x72xi32, #tpu.memory_space<vmem>> -> memref<72xi32, #tpu.memory_space<vmem>>
        %dma_start3A_128 = arith.constant 0 : i32
        %dma_start3A_129 = arith.constant 0 : i32
        %dma_start3A_130 = tpu.memref_slice %arg3[%dma_start3A_128, %dma_start3A_129] : memref<1000000x32xf32, #tpu.memory_space<hbm>> -> memref<1000000x32xf32, #tpu.memory_space<hbm>>
        tpu.enqueue_indirect_dma source(%dma_start3A_130 : memref<1000000x32xf32, #tpu.memory_space<hbm>>) target(%dma_start3A_124 : memref<72x32xf32, #tpu.memory_space<vmem>>) offsets(%dma_start3A_127 : memref<72xi32, #tpu.memory_space<vmem>>) semaphore(%arg9 : memref<!tpu.dma_semaphore, #tpu.memory_space<semaphore_mem>>)
      } else {
      }
      %dma_wait3A_81 = arith.constant 0 : i32
      %dma_wait3A_82 = arith.constant 0 : i32
      %dma_wait3A_83 = tpu.memref_slice %arg3[%dma_wait3A_81, %dma_wait3A_82] : memref<1000000x32xf32, #tpu.memory_space<hbm>> -> memref<200x32xf32, #tpu.memory_space<hbm>>
      %dma_wait3A_84 = arith.constant 0 : i32
      %dma_wait3A_85 = arith.constant 0 : i32
      %dma_wait3A_86 = tpu.memref_slice %arg3[%dma_wait3A_84, %dma_wait3A_85] : memref<1000000x32xf32, #tpu.memory_space<hbm>> -> memref<200x32xf32, #tpu.memory_space<hbm>>
      tpu.wait_dma2 semaphore(%arg10 : memref<!tpu.dma_semaphore, #tpu.memory_space<semaphore_mem>>) src(%dma_wait3A_86 : memref<200x32xf32, #tpu.memory_space<hbm>>) dst(%arg7 : memref<200x32xf32, #tpu.memory_space<vmem>>)
      %broadcast_in_dim3A_87 = arith.constant 0.000000e+00 : f32
      %broadcast_in_dim3A_88 = vector.broadcast %broadcast_in_dim3A_87 : f32 to vector<16xf32>
      %scan3A_89 = arith.constant 0 : i32
      %scan3A_90 = arith.constant 200 : i32
      %scan3A_91 = arith.addi %scan3A_89, %scan3A_90 : i32
      %scan3A_92 = arith.constant 8 : i32
      %scan3A_93:2 = scf.for %scan3A_111 = %scan3A_89 to %scan3A_91 step %scan3A_92 iter_args(%scan3A_112 = %broadcast_in_dim3A_88, %scan3A_113 = %broadcast_in_dim3A_88) -> (vector<16xf32>, vector<16xf32>)  : i32 {
        %get3A = arith.index_cast %scan3A_111 : i32 to index
        %get3A_114 = arith.constant 0 : index
        %get3A_115 = tpu.vector_load %arg7[%get3A, %get3A_114] {strides = array<i32>} : memref<200x32xf32, #tpu.memory_space<vmem>>, vector<1x16xf32>,
        %get3A_116 = vector.shape_cast %get3A_115 : vector<1x16xf32> to vector<16xf32>
        %add3A_117 = arith.addf %scan3A_112, %get3A_116 : vector<16xf32>
        %get3A_118 = arith.index_cast %scan3A_111 : i32 to index
        %get3A_119 = arith.constant 16 : index
        %get3A_120 = tpu.vector_load %arg7[%get3A_118, %get3A_119] {strides = array<i32>} : memref<200x32xf32, #tpu.memory_space<vmem>>, vector<1x16xf32>,
        %get3A_121 = vector.shape_cast %get3A_120 : vector<1x16xf32> to vector<16xf32>
        %add3A_122 = arith.addf %scan3A_113, %get3A_121 : vector<16xf32>
        %scan3A_123 = arith.constant 1 : i32
        %scan3A_124 = arith.addi %scan3A_111, %scan3A_123 : i32
        %get3A_125 = arith.index_cast %scan3A_124 : i32 to index
        %get3A_126 = arith.constant 0 : index
        %get3A_127 = tpu.vector_load %arg7[%get3A_125, %get3A_126] {strides = array<i32>} : memref<200x32xf32, #tpu.memory_space<vmem>>, vector<1x16xf32>,
        %get3A_128 = vector.shape_cast %get3A_127 : vector<1x16xf32> to vector<16xf32>
        %add3A_129 = arith.addf %add3A_117, %get3A_128 : vector<16xf32>
        %get3A_130 = arith.index_cast %scan3A_124 : i32 to index
        %get3A_131 = arith.constant 16 : index
        %get3A_132 = tpu.vector_load %arg7[%get3A_130, %get3A_131] {strides = array<i32>} : memref<200x32xf32, #tpu.memory_space<vmem>>, vector<1x16xf32>,
        %get3A_133 = vector.shape_cast %get3A_132 : vector<1x16xf32> to vector<16xf32>
        %add3A_134 = arith.addf %add3A_122, %get3A_133 : vector<16xf32>
        %scan3A_135 = arith.constant 2 : i32
        %scan3A_136 = arith.addi %scan3A_111, %scan3A_135 : i32
        %get3A_137 = arith.index_cast %scan3A_136 : i32 to index
        %get3A_138 = arith.constant 0 : index
        %get3A_139 = tpu.vector_load %arg7[%get3A_137, %get3A_138] {strides = array<i32>} : memref<200x32xf32, #tpu.memory_space<vmem>>, vector<1x16xf32>,
        %get3A_140 = vector.shape_cast %get3A_139 : vector<1x16xf32> to vector<16xf32>
        %add3A_141 = arith.addf %add3A_129, %get3A_140 : vector<16xf32>
        %get3A_142 = arith.index_cast %scan3A_136 : i32 to index
        %get3A_143 = arith.constant 16 : index
        %get3A_144 = tpu.vector_load %arg7[%get3A_142, %get3A_143] {strides = array<i32>} : memref<200x32xf32, #tpu.memory_space<vmem>>, vector<1x16xf32>,
        %get3A_145 = vector.shape_cast %get3A_144 : vector<1x16xf32> to vector<16xf32>
        %add3A_146 = arith.addf %add3A_134, %get3A_145 : vector<16xf32>
        %scan3A_147 = arith.constant 3 : i32
        %scan3A_148 = arith.addi %scan3A_111, %scan3A_147 : i32
        %get3A_149 = arith.index_cast %scan3A_148 : i32 to index
        %get3A_150 = arith.constant 0 : index
        %get3A_151 = tpu.vector_load %arg7[%get3A_149, %get3A_150] {strides = array<i32>} : memref<200x32xf32, #tpu.memory_space<vmem>>, vector<1x16xf32>,
        %get3A_152 = vector.shape_cast %get3A_151 : vector<1x16xf32> to vector<16xf32>
        %add3A_153 = arith.addf %add3A_141, %get3A_152 : vector<16xf32>
        %get3A_154 = arith.index_cast %scan3A_148 : i32 to index
        %get3A_155 = arith.constant 16 : index
        %get3A_156 = tpu.vector_load %arg7[%get3A_154, %get3A_155] {strides = array<i32>} : memref<200x32xf32, #tpu.memory_space<vmem>>, vector<1x16xf32>,
        %get3A_157 = vector.shape_cast %get3A_156 : vector<1x16xf32> to vector<16xf32>
        %add3A_158 = arith.addf %add3A_146, %get3A_157 : vector<16xf32>
        %scan3A_159 = arith.constant 4 : i32
        %scan3A_160 = arith.addi %scan3A_111, %scan3A_159 : i32
        %get3A_161 = arith.index_cast %scan3A_160 : i32 to index
        %get3A_162 = arith.constant 0 : index
        %get3A_163 = tpu.vector_load %arg7[%get3A_161, %get3A_162] {strides = array<i32>} : memref<200x32xf32, #tpu.memory_space<vmem>>, vector<1x16xf32>,
        %get3A_164 = vector.shape_cast %get3A_163 : vector<1x16xf32> to vector<16xf32>
        %add3A_165 = arith.addf %add3A_153, %get3A_164 : vector<16xf32>
        %get3A_166 = arith.index_cast %scan3A_160 : i32 to index
        %get3A_167 = arith.constant 16 : index
        %get3A_168 = tpu.vector_load %arg7[%get3A_166, %get3A_167] {strides = array<i32>} : memref<200x32xf32, #tpu.memory_space<vmem>>, vector<1x16xf32>,
        %get3A_169 = vector.shape_cast %get3A_168 : vector<1x16xf32> to vector<16xf32>
        %add3A_170 = arith.addf %add3A_158, %get3A_169 : vector<16xf32>
        %scan3A_171 = arith.constant 5 : i32
        %scan3A_172 = arith.addi %scan3A_111, %scan3A_171 : i32
        %get3A_173 = arith.index_cast %scan3A_172 : i32 to index
        %get3A_174 = arith.constant 0 : index
        %get3A_175 = tpu.vector_load %arg7[%get3A_173, %get3A_174] {strides = array<i32>} : memref<200x32xf32, #tpu.memory_space<vmem>>, vector<1x16xf32>,
        %get3A_176 = vector.shape_cast %get3A_175 : vector<1x16xf32> to vector<16xf32>
        %add3A_177 = arith.addf %add3A_165, %get3A_176 : vector<16xf32>
        %get3A_178 = arith.index_cast %scan3A_172 : i32 to index
        %get3A_179 = arith.constant 16 : index
        %get3A_180 = tpu.vector_load %arg7[%get3A_178, %get3A_179] {strides = array<i32>} : memref<200x32xf32, #tpu.memory_space<vmem>>, vector<1x16xf32>,
        %get3A_181 = vector.shape_cast %get3A_180 : vector<1x16xf32> to vector<16xf32>
        %add3A_182 = arith.addf %add3A_170, %get3A_181 : vector<16xf32>
        %scan3A_183 = arith.constant 6 : i32
        %scan3A_184 = arith.addi %scan3A_111, %scan3A_183 : i32
        %get3A_185 = arith.index_cast %scan3A_184 : i32 to index
        %get3A_186 = arith.constant 0 : index
        %get3A_187 = tpu.vector_load %arg7[%get3A_185, %get3A_186] {strides = array<i32>} : memref<200x32xf32, #tpu.memory_space<vmem>>, vector<1x16xf32>,
        %get3A_188 = vector.shape_cast %get3A_187 : vector<1x16xf32> to vector<16xf32>
        %add3A_189 = arith.addf %add3A_177, %get3A_188 : vector<16xf32>
        %get3A_190 = arith.index_cast %scan3A_184 : i32 to index
        %get3A_191 = arith.constant 16 : index
        %get3A_192 = tpu.vector_load %arg7[%get3A_190, %get3A_191] {strides = array<i32>} : memref<200x32xf32, #tpu.memory_space<vmem>>, vector<1x16xf32>,
        %get3A_193 = vector.shape_cast %get3A_192 : vector<1x16xf32> to vector<16xf32>
        %add3A_194 = arith.addf %add3A_182, %get3A_193 : vector<16xf32>
        %scan3A_195 = arith.constant 7 : i32
        %scan3A_196 = arith.addi %scan3A_111, %scan3A_195 : i32
        %get3A_197 = arith.index_cast %scan3A_196 : i32 to index
        %get3A_198 = arith.constant 0 : index
        %get3A_199 = tpu.vector_load %arg7[%get3A_197, %get3A_198] {strides = array<i32>} : memref<200x32xf32, #tpu.memory_space<vmem>>, vector<1x16xf32>,
        %get3A_200 = vector.shape_cast %get3A_199 : vector<1x16xf32> to vector<16xf32>
        %add3A_201 = arith.addf %add3A_189, %get3A_200 : vector<16xf32>
        %get3A_202 = arith.index_cast %scan3A_196 : i32 to index
        %get3A_203 = arith.constant 16 : index
        %get3A_204 = tpu.vector_load %arg7[%get3A_202, %get3A_203] {strides = array<i32>} : memref<200x32xf32, #tpu.memory_space<vmem>>, vector<1x16xf32>,
        %get3A_205 = vector.shape_cast %get3A_204 : vector<1x16xf32> to vector<16xf32>
        %add3A_206 = arith.addf %add3A_194, %get3A_205 : vector<16xf32>
        scf.yield %add3A_201, %add3A_206 : vector<16xf32>, vector<16xf32>
      }
      %scan3A_94 = arith.constant 200 : i32
      %mul3A_95 = arith.constant 5.000000e-03 : f32
      %mul3A_96 = vector.broadcast %mul3A_95 : f32 to vector<16xf32>
      %mul3A_97 = arith.mulf %scan3A_93#0, %mul3A_96 : vector<16xf32>
      %swap3A_98 = arith.index_cast %add3A_31 : i32 to index
      %swap3A_99 = arith.constant 0 : index
      %swap3A_100 = tpu.vector_load %arg8[%swap3A_98, %swap3A_99] {strides = array<i32>} : memref<128x32xf32, #tpu.memory_space<vmem>>, vector<1x16xf32>,
      %swap3A_101 = vector.shape_cast %swap3A_100 : vector<1x16xf32> to vector<16xf32>
      %swap3A_102 = vector.shape_cast %mul3A_97 : vector<16xf32> to vector<1x16xf32>
      tpu.vector_store %arg8[%swap3A_98, %swap3A_99], %swap3A_102 {strides = array<i32>} : memref<128x32xf32, #tpu.memory_space<vmem>>, vector<1x16xf32>,
      %mul3A_103 = arith.constant 5.000000e-03 : f32
      %mul3A_104 = vector.broadcast %mul3A_103 : f32 to vector<16xf32>
      %mul3A_105 = arith.mulf %scan3A_93#1, %mul3A_104 : vector<16xf32>
      %swap3A_106 = arith.index_cast %add3A_31 : i32 to index
      %swap3A_107 = arith.constant 16 : index
      %swap3A_108 = tpu.vector_load %arg8[%swap3A_106, %swap3A_107] {strides = array<i32>} : memref<128x32xf32, #tpu.memory_space<vmem>>, vector<1x16xf32>,
      %swap3A_109 = vector.shape_cast %swap3A_108 : vector<1x16xf32> to vector<16xf32>
      %swap3A_110 = vector.shape_cast %mul3A_105 : vector<16xf32> to vector<1x16xf32>
      tpu.vector_store %arg8[%swap3A_106, %swap3A_107], %swap3A_110 {strides = array<i32>} : memref<128x32xf32, #tpu.memory_space<vmem>>, vector<1x16xf32>,
    }
    %scan3A_26 = arith.constant 64 : i32
    "tpu.region"() ({
      %run_scoped3A = tpu.sem_alloc : memref<!tpu.dma_semaphore, #tpu.memory_space<semaphore_mem>>
      %dma_start3A_27 = arith.constant 0 : i32
      %dma_start3A_28 = tpu.memref_slice %arg4[%mul3A_2, %dma_start3A_27] : memref<4096x32xf32, #tpu.memory_space<hbm>> -> memref<128x32xf32, #tpu.memory_space<hbm>>
      %dma_start3A_29 = arith.constant 0 : i32
      %dma_start3A_30 = tpu.memref_slice %arg4[%mul3A_2, %dma_start3A_29] : memref<4096x32xf32, #tpu.memory_space<hbm>> -> memref<128x32xf32, #tpu.memory_space<hbm>>
      tpu.enqueue_dma source(%arg8 : memref<128x32xf32, #tpu.memory_space<vmem>>) target(%dma_start3A_30 : memref<128x32xf32, #tpu.memory_space<hbm>>) target_semaphore(%run_scoped3A : memref<!tpu.dma_semaphore, #tpu.memory_space<semaphore_mem>>)
      %dma_wait3A = arith.constant 0 : i32
      %dma_wait3A_31 = tpu.memref_slice %arg4[%mul3A_2, %dma_wait3A] : memref<4096x32xf32, #tpu.memory_space<hbm>> -> memref<128x32xf32, #tpu.memory_space<hbm>>
      %dma_wait3A_32 = arith.constant 0 : i32
      %dma_wait3A_33 = tpu.memref_slice %arg4[%mul3A_2, %dma_wait3A_32] : memref<4096x32xf32, #tpu.memory_space<hbm>> -> memref<128x32xf32, #tpu.memory_space<hbm>>
      tpu.wait_dma2 semaphore(%run_scoped3A : memref<!tpu.dma_semaphore, #tpu.memory_space<semaphore_mem>>) src(%arg8 : memref<128x32xf32, #tpu.memory_space<vmem>>) dst(%dma_wait3A_33 : memref<128x32xf32, #tpu.memory_space<hbm>>)
      tpu.yield
    }) : () -> ()
    return
  }
}

</mosaic_0001>

<sc_bundles>
// kernel: _pool.3.cloned.1.call-start
scs
__scs_entry_jumppad:
0x0: {  	(pc) =	sbr.rel $0x88, $3  }
0x1: {  	(tag) =	ssettag $0x0;
	lr =	simm.s32 $0x1  }
0x2: {  	[smem:$0x3F9F] =	sst lr;
	_ =	strace $0xD0000000  }
0x3: {  	_ = 	snop  }
0x4: {  	_ = 	snop  }
0x5: {  	_ = 	snop  }
0x6: {  	_ = 	snop  }
0x7: {  	_ = 	snop  }
__scs_overlays_trampoline_lowered:
0x8: {  	[smem:$0x3FAE] =	sst s0  }
0x9: {  	[smem:$0x3FAF] =	sst s1  }
0xa: {  	[smem:$0x3FB0] =	sst s2  }
0xb: {  	[smem:$0x3FB1] =	sst s3  }
0xc: {  	[smem:$0x3FB2] =	sst s4  }
0xd: {  	[smem:$0x3FB3] =	sst s5  }
0xe: {  	[smem:$0x3FB4] =	sst s6  }
0xf: {  	[smem:$0x3FB5] =	sst s7  }
0x10: {  	[smem:$0x3FB6] =	sst s8  }
0x11: {  	[smem:$0x3FB7] =	sst s9;
	s0 =	simm.s32 @!p0 $0x0  }
0x12: {  	s1 =	sld [smem:$0x3F9D];
	s0 =	simm.s32 @p0 $0x1  }
0x13: {  	[smem:$0x3FB8] =	sst s0;
	s0 =	simm.s32 @!p1 $0x0  }
0x14: {  	s2 =	sld [smem:$0x3F9C];
	s0 =	simm.s32 @p1 $0x1  }
0x15: {  	[smem:$0x3FB9] =	sst s0;
	s0 =	simm.s32 @!p2 $0x0  }
0x16: {  	s3 =	sld [smem:$0x3FDB];
	s0 =	simm.s32 @p2 $0x1  }
0x17: {  	s4 =	simm.s32 $0x1BF5;
	[smem:$0x3FBB] =	sst s0  }
0x18: {  	s0 =	sld [smem:$0x3F9E];
	_ =	swait.ge [sflag:s4], $0x0  }
0x19: {  	s7 =	sld [smem:$0x3F9F]  }
0x1a: {  	s8 =	sadd.s32 $0xFFFFE003, lr  }
0x1b: {  	s9 =	sadd.s32 $0xFFFFFEF7, lr;
	s5 =	simm.s32 $0xFFFFFFFF;
	p2 =	slt.u32 s8, $0xFFFFF086  }
0x1c: {  	p1 =	slt.u32 s9, $0xF7A;
	s5 =	simm.s32 @!p2 $0x0  }
0x1d: {  	s5 =	simm.s32 @p1 $0x1;
	p0 =	seq.s32 s7, s2  }
0x1e: {  	s7 =	smul.u32 @!p0 $0xF7A, s2;
	p2 =	seq.s32 @!p0 s5, $0x0  }
0x1f: {  	s9 =	smul.u32 $0xF7A, s1;
	s8 =	simm.s32 @!p0 $0x1BF5;
	p2 =	por !p2, p0  }
0x20: {  	[sflag:s8] =	ssyncset.s32 @!p0 $0xFFFFF086;
	s6 =	sadd.s32 @!p0 s3, s7;
	s7 =	simm.s32 @!p0 $0x108  }
0x21: {  	s3 =	sadd.s32 s3, s9;
	s6 =	sadd.s32 @!p0 $0x88, s6;
	s7 =	simm.s32 @p2 $0x1082  }
0x22: {  	[simem:s7], [sflag:s8] =	dma.local @!p0 [hbm:s6], $0xF7A  }
0x23: {  	s9 =	sor.u32 $0xD0000000, s2;
	s6 =	simm.s32 $0x108;
	_ =	swait.ge @!p0 [sflag:s8], $0x0  }
0x24: {  	s3 =	sadd.s32 $0x88, s3;
	s6 =	simm.s32 @!p1 $0x1082;
	[sflag:s4] =	ssyncset.s32 $0xFFFFF086  }
0x25: {  	[simem:s6], [sflag:s4] =	dma.local [hbm:s3], $0xF7A  }
0x26: {  	[smem:$0x3F9F] =	sst s1;
	(tag) =	ssettag s2;
	_ =	strace s9  }
0x27: {  	s1 =	sld [smem:$0x3FAF]  }
0x28: {  	s2 =	sld [smem:$0x3FB0]  }
0x29: {  	s4 =	sld [smem:$0x3FB2]  }
0x2a: {  	p0 =	seq.s32 s5, $0x0;
	s5 =	sld [smem:$0x3FB3]  }
0x2b: {  	s6 =	sld [smem:$0x3FB4]  }
0x2c: {  	s7 =	sld [smem:$0x3FB5]  }
0x2d: {  	s3 =	simm.s32 $0x108;
	s8 =	sld [smem:$0x3FB6]  }
0x2e: {  	s3 =	simm.s32 @!p0 $0x1082;
	s9 =	sld [smem:$0x3FB7]  }
0x2f: {  	lr =	sadd.s32 s0, s3;
	s0 =	sld [smem:$0x3FAE]  }
0x30: {  	s3 =	sld [smem:$0x3FB1]  }
0x31: {  	[smem:$0x3FBA] =	sst s10  }
0x32: {  	s10 =	sld [smem:$0x3FB8];
	_ =	sdelay $0x3  }
0x33: {  	p0 =	seq.s32 s10, $0x1;
	s10 =	sld [smem:$0x3FBA];
	_ =	sdelay $0x3  }
0x34: {  	[smem:$0x3FBA] =	sst s10  }
0x35: {  	s10 =	sld [smem:$0x3FB9];
	_ =	sdelay $0x3  }
0x36: {  	p1 =	seq.s32 s10, $0x1;
	s10 =	sld [smem:$0x3FBA];
	_ =	sdelay $0x3  }
0x37: {  	[smem:$0x3FBA] =	sst s10  }
0x38: {  	s10 =	sld [smem:$0x3FBB]  }
0x39: {  	_ = 	snop;
	(pc) =	sbr.ind lr, $3  }
0x3a: {  	_ = 	snop  }
0x3b: {  	_ = 	snop  }
0x3c: {  	p2 =	seq.s32 s10, $0x1;
	s10 =	sld [smem:$0x3FBA]  }
0x3d: {  	_ =	shalt  }
0x3e: {  	_ =	shalt  }
0x3f: {  	_ =	shalt  }
0x40: {  	_ =	shalt  }
0x41: {  	_ =	shalt  }
0x42: {  	_ =	shalt  }
0x43: {  	_ =	shalt  }
0x44: {  	_ =	shalt  }
0x45: {  	_ =	shalt  }
0x46: {  	_ =	shalt  }
0x47: {  	_ =	shalt  }
0x48: {  	_ =	shalt  }
0x49: {  	_ =	shalt  }
0x4a: {  	_ =	shalt  }
0x4b: {  	_ =	shalt  }
0x4c: {  	_ =	shalt  }
0x4d: {  	_ =	shalt  }
0x4e: {  	_ =	shalt  }
0x4f: {  	_ =	shalt  }
0x50: {  	_ =	shalt  }
0x51: {  	_ =	shalt  }
0x52: {  	_ =	shalt  }
0x53: {  	_ =	shalt  }
0x54: {  	_ =	shalt  }
0x55: {  	_ =	shalt  }
0x56: {  	_ =	shalt  }
0x57: {  	_ =	shalt  }
0x58: {  	_ =	shalt  }
0x59: {  	_ =	shalt  }
0x5a: {  	_ =	shalt  }
0x5b: {  	_ =	shalt  }
0x5c: {  	_ =	shalt  }
0x5d: {  	_ =	shalt  }
0x5e: {  	_ =	shalt  }
0x5f: {  	_ =	shalt  }
0x60: {  	_ =	shalt  }
0x61: {  	_ =	shalt  }
0x62: {  	_ =	shalt  }
0x63: {  	_ =	shalt  }
0x64: {  	_ =	shalt  }
0x65: {  	_ =	shalt  }
0x66: {  	_ =	shalt  }
0x67: {  	_ =	shalt  }
0x68: {  	_ =	shalt  }
0x69: {  	_ =	shalt  }
0x6a: {  	_ =	shalt  }
0x6b: {  	_ =	shalt  }
0x6c: {  	_ =	shalt  }
0x6d: {  	_ =	shalt  }
0x6e: {  	_ =	shalt  }
0x6f: {  	_ =	shalt  }
0x70: {  	_ =	shalt  }
0x71: {  	_ =	shalt  }
0x72: {  	_ =	shalt  }
0x73: {  	_ =	shalt  }
0x74: {  	_ =	shalt  }
0x75: {  	_ =	shalt  }
0x76: {  	_ =	shalt  }
0x77: {  	_ =	shalt  }
0x78: {  	_ =	shalt  }
0x79: {  	_ =	shalt  }
0x7a: {  	_ =	shalt  }
0x7b: {  	_ =	shalt  }
0x7c: {  	_ =	shalt  }
0x7d: {  	_ =	shalt  }
0x7e: {  	_ =	shalt  }
0x7f: {  	_ =	shalt  }
0x80: {  	_ =	shalt  }
0x81: {  	_ =	shalt  }
0x82: {  	_ =	shalt  }
0x83: {  	_ =	shalt  }
0x84: {  	_ =	shalt  }
0x85: {  	_ =	shalt  }
0x86: {  	_ =	shalt  }
0x87: {  	_ =	shalt  }
.Lfunc_end0:
.L_simem_size_0:
called_computation_lowered:
.L_overlay_start_0:
0x88: {  	s2 =	sld [smem:$0x3FD9]  }
0x89: {  	s3 =	sld [smem:$0x3FFE];
	_ =	sdelay $0x1  }
0x8a: {  	s1 =	srdreg.scid  }
0x8b: {  	s0 =	sand.u32 $0x1, s1  }
0x8c: {  	s17 =	sshll.u32 s0, $0xA;
	s2 =	sadd.s32 s3, s2  }
0x8d: {  	s2 =	sadd.s32 s2, s17  }
0x8e: {  	[smem:$0x3FC6] =	sst s2  }
0x8f: {  	_ = 	snop  }
0x90: {  	s2 =	sld [smem:$0x3FD0];
	(tm) =	ssettm $0x1  }
0x91: {  	s18 =	sld [smem:$0x3FFB];
	_ =	sdelay $0x3  }
0x92: {  	_ =	strace s18  }
0x93: {  	s3 =	sld [smem:$0x3FFC];
	_ =	sdelay $0x3  }
0x94: {  	_ =	strace s3  }
0x95: {  	s3 =	sld [smem:$0x3FFD];
	_ =	sdelay $0x3  }
0x96: {  	_ =	strace s3  }
0x97: {  	_ =	strace $0x8FFFFFFF  }
0x98: {  	s19 =	sld [smem:$0x3FDB];
	_ =	sdelay $0x1  }
0x99: {  	s4 =	simm.s32 $_scs_section_size  }
0x9a: {  	s5 =	simm.s32 $_size__tile_overlayer_lowered;
	s6 =	simm.s32 $_tile_overlayer_lowered  }
0x9b: {  	s22 =	simm.s32 $0x1BFF;
	s21 =	sshll.u32 s6, $0x1;
	s3 =	sadd.s32 s4, s19  }
0x9c: {  	s7 =	simm.s32 $0x0;
	s20 =	sshll.u32 s5, $0x1;
	s5 =	sadd.s32 s21, s3  }
0x9d: {  	[timem:s7], [sflag:s22] =	dma.local [hbm:s5], s20  }
0x9e: {  	_ =	swait.ge [sflag:s22], s20  }
0x9f: {  	s4 =	ssub.s32 $0x0, s20;
	[sflag:s22] =	ssyncset.done $0x0  }
0xa0: {  	[sflag:s22] =	ssyncadd.s32 s4;
	_ =	sdelay $0x1  }
0xa1: {  	s23 =	simm.s32 $0x1B8B  }
0xa2: {  	_ =	swait.ge [sflag:s23], $0x1  }
0xa3: {  	[sflag:s23] =	ssyncset.done $0x0  }
0xa4: {  	s25 =	simm.s32 $0x1B8E;
	s24 =	sld [smem:$0x3FFE];
	[sflag:s23] =	ssyncadd.s32 $0xFFFFFFFF  }
0xa5: {  	s26 =	simm.s32 $execute0_lowered;
	[smem:$0x3FD2] =	sst s25  }
0xa6: {  	s5 =	sshll.u32 s26, $0x1;
	_ =	strace $0x80000046;
	[dreg:$0x1] =	wrdreg $0xFFFFFFFF  }
0xa7: {  	s28 =	simm.s32 $_size_execute0_lowered;
	s3 =	sadd.s32 s3, s5;
	[dreg:$0x0] =	wrdreg $0x0  }
0xa8: {  	s5 =	sshll.u32 s28, $0x1;
	[dreg:$0x2] =	wrdreg s3  }
0xa9: {  	[dreg:$0x3] =	wrdreg s5  }
0xaa: {  	[dreg:$0x4] =	wrdreg $0xC0  }
0xab: {  	_ =	task [dreg:s7], $0x5FFFF  }
0xac: {  	[dreg:$0x1] =	wrdreg $0xFFFFFFFF  }
0xad: {  	[dreg:$0x0] =	wrdreg $0x60  }
0xae: {  	[dreg:$0x2] =	wrdreg s24  }
0xaf: {  	[dreg:$0x3] =	wrdreg s2  }
0xb0: {  	[dreg:$0x4] =	wrdreg $0x9  }
0xb1: {  	_ =	task.clear_ibuf [dreg:s7], $0x5FFFF;
	_ =	strace $0x90000046  }
0xb2: {  	s29 =	simm.s32 $0x9;
	_ =	strace $0x80000048  }
0xb3: {  	_ =	swait.ge [sflag:s29], $0x1  }
0xb4: {  	[sflag:s29] =	ssyncadd.s32 $0xFFFFFFFF  }
0xb5: {  	_ =	strace $0x90000048  }
0xb6: {  	_ =	sfence  }
0xb7: {  	s30 =	sld [smem:$0x0];
	_ =	sdelay $0x2  }
0xb8: {  	s31 =	sshll.u32 s1, $0xD;
	s1 =	sshrl.u32 s1, $0x2  }
0xb9: {  	s3 =	sand.u32 $0x4000, s31;
	s1 =	sadd.s32 s1, s30  }
0xba: {  	s0 =	sor.u32 s3, s0;
	s1 =	sshll.u32 s1, $0x11  }
0xbb: {  	s0 =	sor.u32 s1, s0  }
0xbc: {  	s0 =	sadd.s32 $0x8F2B, s0  }
0xbd: {  	[sflag:s0] =	ssyncadd.remote.s32 $0x1  }
0xbe: {  	_ =	sfence.sel $0xFFFF  }
0xbf: {  	[dreg:$0x0] =	wrdreg $0xFFFFFFFF;
	(pc) =	sbr.abs _section_cstart, $3  }
0xc0: {  	[dreg:$0x1] =	wrdreg $0xFFFFFFFF  }
0xc1: {  	_ =	task.clear_ibuf [dreg:s7], $0x2FFFF;
	_ =	strace $0x9FFFFFFF  }
0xc2: {  	(tm) =	ssettm $0x7FFFFFFF  }
0xc3: {  	_ =	shalt  }
tec
execute0_lowered:
.L_overlay_start_1:
0x0: {  	(tag) =	ssettag $0x1  }
0x1: {  	s1 =	srdreg.scid  }
0x2: {  	s0 =	stileid.u32;
	s4 =	rddreg [dreg:$0x0]  }
0x3: {  	s5 =	rddreg [dreg:$0x1];
	s9 =	simm.s32 $0x6400;
	s10 =	simm.s32 $0x48  }
0x4: {  	s11 =	simm.s32 $0x7400;
	s12 =	simm.s32 $0x7D00;
	s13 =	simm.s32 $0x8D00  }
0x5: {  	s14 =	simm.s32 $0x1;
	s15 =	simm.s32 $0x2;
	s16 =	simm.s32 $0x9600  }
0x6: {  	s17 =	simm.s32 $0x0;
	s3 =	sand.u32 $0x1, s1;
	s30 =	sshll.u32 s0, $0x8  }
0x7: {  	s1 =	rddreg [dreg:$0x2];
	s2 =	sshll.u32 s3, $0x7;
	s8 =	ssub.s32 $0x2, s3  }
0x8: {  	s3 =	sadd.s32 $0xF42A00, s4;
	s6 =	sor.u32 s2, s30;
	s2 =	simm.s32 $0x0  }
0x9: {  	s31 =	sshrl.u32 s8, $0x1;
	s7 =	smul.u32 $0x19, s6;
	[smem:$0x7FF] =	sst s2  }
0xa: {  	s6 =	sshll.u32 s6, $0x2;
	s8 =	ssub.s32 s8, s31;
	_ =	strace $0x80000047  }
0xb: {  	s5 =	sadd.s32 s5, s6;
	s6 =	smax.u32 s8, $0x1;
	s7 =	sadd.s32 s7, s4  }
0xc: {  	s8 =	simm.s32 $0x80;
	s4 =	sadd.s32 $0x600, s7;
	s7 =	simm.s32 $0x3  }
.LBB2_1:
0xd: {  	[tilespmem:s2], [sflag:$0x3] =	stream.linear.gather [hbm4b:s4+s2], $0x6400, $0x38;
	[tilespmem:$0xA600] =	vst v63  }
0xe: {  	_ =	swait.ge [sflag:s7], $0x6400  }
0xf: {  	[sflag:s7] =	ssyncset.done $0x0  }
0x10: {  	[sflag:s7] =	ssyncadd.s32 $0xFFFF9C00  }
0x11: {  	[tilespmem:s9], [sflag:$0x1] =	stream.indirect.gather [hbm4b:s3+s8], $0x20, s2, s8, $0xb8;
	[tilespmem:$0xA600] =	vst v63  }
0x12: {  	s18 =	simm.s32 $0x0  }
0x13: {  	[tilespmem:s11], [sflag:$0x1] =	stream.indirect.gather [hbm4b:s3+s10], $0x20, s8, s10, $0xb8;
	[tilespmem:$0xA600] =	vst v63  }
.LBB2_2:
0x14: {  	s19 =	sshllo.u32 s18, $0x1  }
0x15: {  	s20 =	smul.u32 $0x320, s19;
	_ =	sdelay $0x1  }
0x16: {  	s20 =	sshra.s32 s20, $0x2  }
0x17: {  	[tilespmem:s12], [sflag:$0x2] =	stream.indirect.gather [hbm4b:s3+s8], $0x20, s20, s8, $0xb8;
	[tilespmem:$0xA600] =	vst v63  }
0x18: {  	s20 =	sadd.s32 $0x80, s20  }
0x19: {  	[tilespmem:s13], [sflag:$0x2] =	stream.indirect.gather [hbm4b:s3+s10], $0x20, s20, s10, $0xb8;
	[tilespmem:$0xA600] =	vst v63  }
0x1a: {  	_ =	swait.ge [sflag:s14], $0x1900  }
0x1b: {  	[sflag:s14] =	ssyncset.done $0x0  }
0x1c: {  	s21 =	simm.s32 $0x6480;
	[sflag:s14] =	ssyncadd.s32 $0xFFFFE700  }
0x1d: {  	v0 =	vld [tilespmem:s21+$0xFFFFFF80]  }
0x1e: {  	v1 =	vld [tilespmem:s21+$0xFFFFFF90]  }
0x1f: {  	v2 =	vld [tilespmem:s21+$0xFFFFFFA0]  }
0x20: {  	v3 =	vld [tilespmem:s21+$0xFFFFFFB0]  }
0x21: {  	v4 =	vld [tilespmem:s21+$0xFFFFFFC0]  }
0x22: {  	v6 =	vimm.f32 $0.0e+00;
	v5 =	vld [tilespmem:s21+$0xFFFFFFD0]  }
0x23: {  	v7 =	vld [tilespmem:s21+$0xFFFFFFE0];
	v0 =	vadd.f32 v0, v6;
	v1 =	vadd.f32 v1, v6  }
0x24: {  	v6 =	vld [tilespmem:s21+$0xFFFFFFF0]  }
0x25: {  	v8 =	vld [tilespmem:s21+$0x0];
	v2 =	vadd.f32 v2, v0;
	v1 =	vadd.f32 v3, v1  }
0x26: {  	v9 =	vld [tilespmem:s21+$0x10]  }
0x27: {  	v0 =	vld [tilespmem:s21+$0x20];
	v2 =	vadd.f32 v4, v2;
	v4 =	vadd.f32 v5, v1  }
0x28: {  	v3 =	vld [tilespmem:s21+$0x30]  }
0x29: {  	v1 =	vld [tilespmem:s21+$0x40];
	v5 =	vadd.f32 v7, v2;
	v7 =	vadd.f32 v6, v4  }
0x2a: {  	v4 =	vld [tilespmem:s21+$0x50]  }
0x2b: {  	v2 =	vld [tilespmem:s21+$0x60];
	v6 =	vadd.f32 v8, v5;
	v7 =	vadd.f32 v9, v7  }
0x2c: {  	s20 =	simm.s32 $0x0;
	v5 =	vld [tilespmem:s21+$0x70];
	s21 =	simm.s32 $0x6580  }
.LBB2_3:
0x2d: {  	v8 =	vld [tilespmem:s21+$0xFFFFFF80];
	v0 =	vadd.f32 v0, v6;
	v3 =	vadd.f32 v3, v7  }
0x2e: {  	s20 =	sadd.s32 $0x8, s20;
	v6 =	vld [tilespmem:s21+$0xFFFFFF90]  }
0x2f: {  	p0 =	slt.u32 s20, $0xC0;
	v7 =	vld [tilespmem:s21+$0xFFFFFFA0];
	v0 =	vadd.f32 v1, v0;
	v1 =	vadd.f32 v4, v3  }
0x30: {  	v3 =	vld [tilespmem:s21+$0xFFFFFFB0]  }
0x31: {  	v4 =	vld [tilespmem:s21+$0xFFFFFFC0];
	v0 =	vadd.f32 v2, v0;
	v1 =	vadd.f32 v5, v1  }
0x32: {  	v2 =	vld [tilespmem:s21+$0xFFFFFFD0]  }
0x33: {  	v0 =	vadd.f32 v8, v0;
	v1 =	vadd.f32 v6, v1;
	v5 =	vld [tilespmem:s21+$0xFFFFFFE0]  }
0x34: {  	v6 =	vld [tilespmem:s21+$0xFFFFFFF0]  }
0x35: {  	v0 =	vadd.f32 v7, v0;
	v1 =	vadd.f32 v3, v1;
	v7 =	vld [tilespmem:s21+$0x0]  }
0x36: {  	v8 =	vld [tilespmem:s21+$0x10]  }
0x37: {  	v4 =	vadd.f32 v4, v0;
	v1 =	vadd.f32 v2, v1;
	v0 =	vld [tilespmem:s21+$0x20]  }
.Ltmp0:
0x38: {  	v3 =	vld [tilespmem:s21+$0x30];
	(pc) =	sbr.rel @p0 .LBB2_3-.Ltmp0, $4  }
0x39: {  	v2 =	vadd.f32 v5, v4;
	v5 =	vadd.f32 v6, v1;
	v1 =	vld [tilespmem:s21+$0x40]  }
0x3a: {  	v4 =	vld [tilespmem:s21+$0x50]  }
0x3b: {  	v6 =	vadd.f32 v7, v2;
	v7 =	vadd.f32 v8, v5;
	v2 =	vld [tilespmem:s21+$0x60]  }
0x3c: {  	v5 =	vld [tilespmem:s21+$0x70];
	s21 =	sadd.s32 $0x100, s21  }
0x3d: {  	v0 =	vadd.f32 v0, v6  }
0x3e: {  	v3 =	vadd.f32 v3, v7  }
0x3f: {  	v0 =	vadd.f32 v1, v0  }
0x40: {  	v1 =	vadd.f32 v4, v3  }
0x41: {  	v0 =	vadd.f32 v2, v0  }
0x42: {  	p0 =	seq.s32 s18, $0x3F;
	v1 =	vadd.f32 v5, v1  }
0x43: {  	s20 =	sshll.u32 s18, $0x6;
	s21 =	smul.u32 @!p0 $0x640, s18;
	v0 =	vmul.f32 $4.999999890e-03, v0  }
0x44: {  	s20 =	sand.u32 $0x3FFFFFC0, s20;
	v1 =	vmul.f32 $4.999999890e-03, v1  }
0x45: {  	s21 =	sshra.s32 @!p0 s21, $0x2;
	[tilespmem:s20+$0x9600] =	vst v0  }
0x46: {  	s22 =	simm.s32 @!p0 $0x80;
	s23 =	simm.s32 @!p0 $0x6400;
	[tilespmem:s20+$0x9610] =	vst v1;
	s20 =	sadd.s32 @!p0 $0x190, s21  }
0x47: {  	[tilespmem:s23], [sflag:$0x1] =	stream.indirect.gather @!p0 [hbm4b:s3+s22], $0x20, s20, s22, $0xb8;
	[tilespmem:$0xA600] =	vst v63  }
0x48: {  	s20 =	sadd.s32 @!p0 $0x210, s21;
	s21 =	simm.s32 @!p0 $0x48;
	s22 =	simm.s32 @!p0 $0x7400  }
0x49: {  	[tilespmem:s22], [sflag:$0x1] =	stream.indirect.gather @!p0 [hbm4b:s3+s21], $0x20, s20, s21, $0xb8;
	[tilespmem:$0xA600] =	vst v63  }
0x4a: {  	_ =	swait.ge [sflag:s15], $0x1900  }
0x4b: {  	[sflag:s15] =	ssyncset.done $0x0  }
0x4c: {  	s31 =	simm.s32 $0x7D80;
	[sflag:s15] =	ssyncadd.s32 $0xFFFFE700  }
0x4d: {  	v0 =	vld [tilespmem:s31+$0xFFFFFF80]  }
0x4e: {  	v1 =	vld [tilespmem:s31+$0xFFFFFF90]  }
0x4f: {  	v2 =	vld [tilespmem:s31+$0xFFFFFFA0]  }
0x50: {  	v3 =	vld [tilespmem:s31+$0xFFFFFFB0]  }
0x51: {  	v4 =	vld [tilespmem:s31+$0xFFFFFFC0]  }
0x52: {  	v6 =	vimm.f32 $0.0e+00;
	v5 =	vld [tilespmem:s31+$0xFFFFFFD0]  }
0x53: {  	v7 =	vld [tilespmem:s31+$0xFFFFFFE0];
	v0 =	vadd.f32 v0, v6;
	v1 =	vadd.f32 v1, v6  }
0x54: {  	v6 =	vld [tilespmem:s31+$0xFFFFFFF0]  }
0x55: {  	v8 =	vld [tilespmem:s31+$0x0];
	v2 =	vadd.f32 v2, v0;
	v1 =	vadd.f32 v3, v1  }
0x56: {  	v9 =	vld [tilespmem:s31+$0x10]  }
0x57: {  	v0 =	vld [tilespmem:s31+$0x20];
	v2 =	vadd.f32 v4, v2;
	v4 =	vadd.f32 v5, v1  }
0x58: {  	v3 =	vld [tilespmem:s31+$0x30]  }
0x59: {  	v1 =	vld [tilespmem:s31+$0x40];
	v5 =	vadd.f32 v7, v2;
	v7 =	vadd.f32 v6, v4  }
0x5a: {  	v4 =	vld [tilespmem:s31+$0x50]  }
0x5b: {  	v2 =	vld [tilespmem:s31+$0x60];
	v6 =	vadd.f32 v8, v5;
	v7 =	vadd.f32 v9, v7  }
0x5c: {  	s20 =	simm.s32 $0x0;
	s21 =	simm.s32 $0x7E80;
	v5 =	vld [tilespmem:s31+$0x70]  }
.LBB2_5:
0x5d: {  	v8 =	vld [tilespmem:s21+$0xFFFFFF80];
	v0 =	vadd.f32 v0, v6;
	v3 =	vadd.f32 v3, v7  }
0x5e: {  	s20 =	sadd.s32 $0x8, s20;
	v6 =	vld [tilespmem:s21+$0xFFFFFF90]  }
0x5f: {  	p0 =	slt.u32 s20, $0xC0;
	v7 =	vld [tilespmem:s21+$0xFFFFFFA0];
	v0 =	vadd.f32 v1, v0;
	v1 =	vadd.f32 v4, v3  }
0x60: {  	v3 =	vld [tilespmem:s21+$0xFFFFFFB0]  }
0x61: {  	v4 =	vld [tilespmem:s21+$0xFFFFFFC0];
	v0 =	vadd.f32 v2, v0;
	v1 =	vadd.f32 v5, v1  }
0x62: {  	v2 =	vld [tilespmem:s21+$0xFFFFFFD0]  }
0x63: {  	v0 =	vadd.f32 v8, v0;
	v1 =	vadd.f32 v6, v1;
	v5 =	vld [tilespmem:s21+$0xFFFFFFE0]  }
0x64: {  	v6 =	vld [tilespmem:s21+$0xFFFFFFF0]  }
0x65: {  	v0 =	vadd.f32 v7, v0;
	v1 =	vadd.f32 v3, v1;
	v7 =	vld [tilespmem:s21+$0x0]  }
0x66: {  	v8 =	vld [tilespmem:s21+$0x10]  }
0x67: {  	v4 =	vadd.f32 v4, v0;
	v1 =	vadd.f32 v2, v1;
	v0 =	vld [tilespmem:s21+$0x20]  }
.Ltmp1:
0x68: {  	v3 =	vld [tilespmem:s21+$0x30];
	(pc) =	sbr.rel @p0 .LBB2_5-.Ltmp1, $4  }
0x69: {  	v2 =	vadd.f32 v5, v4;
	v5 =	vadd.f32 v6, v1;
	v1 =	vld [tilespmem:s21+$0x40]  }
0x6a: {  	v4 =	vld [tilespmem:s21+$0x50]  }
0x6b: {  	v6 =	vadd.f32 v7, v2;
	v7 =	vadd.f32 v8, v5;
	v2 =	vld [tilespmem:s21+$0x60]  }
0x6c: {  	v5 =	vld [tilespmem:s21+$0x70];
	s21 =	sadd.s32 $0x100, s21  }
0x6d: {  	v0 =	vadd.f32 v0, v6  }
0x6e: {  	v3 =	vadd.f32 v3, v7  }
0x6f: {  	v0 =	vadd.f32 v1, v0  }
0x70: {  	s18 =	sadd.s32 $0x1, s18;
	v63 =	vadd.f32 v4, v3  }
0x71: {  	p0 =	sne.s32 s18, $0x40;
	v0 =	vadd.f32 v2, v0  }
.Ltmp2:
0x72: {  	v1 =	vadd.f32 v5, v63;
	(pc) =	sbr.rel @p0 .LBB2_2-.Ltmp2, $4  }
0x73: {  	s19 =	sshll.u32 s19, $0x5;
	v0 =	vmul.f32 $4.999999890e-03, v0  }
0x74: {  	s19 =	sand.u32 $0x3FFFFFE0, s19;
	v1 =	vmul.f32 $4.999999890e-03, v1  }
0x75: {  	[tilespmem:s19+$0x9600] =	vst v0  }
0x76: {  	[tilespmem:s19+$0x9610] =	vst v1  }
0x77: {  	s17 =	sadd.s32 $0x1, s17  }
0x78: {  	p0 =	sne.s32 s17, s6  }
.Ltmp3:
0x79: {  	_ = 	snop;
	(pc) =	sbr.rel @p0 .LBB2_1-.Ltmp3, $4  }
0x7a: {  	[hbm4b:s5+s2] =	stream.linear.scatter [tilespmem:s16], [sflag:$0x3], $0x1000, $0x38;
	[tilespmem:$0xA600] =	vst v63  }
0x7b: {  	_ =	swait.ge [sflag:s7], $0x1000  }
0x7c: {  	[sflag:s7] =	ssyncset.done $0x0  }
0x7d: {  	[sflag:s7] =	ssyncadd.s32 $0xFFFFF000  }
0x7e: {  	_ =	sfence.sel $0x180000  }
0x7f: {  	[bflag:$0x0] =	sbarrier.arrive $0xFFFF  }
0x80: {  	p0 =	sne.s32 s0, $0x0;
	_ =	strace $0x90000047  }
0x81: {  	s0 =	sadd.s32 @!p0 $0x100000, s1;
	[bflag:$0x2] =	sbarrier.arrive $0xFFFF  }
0x82: {  	[sflag:s0] =	ssyncadd.tile.s32 @!p0 $0x1;
	_ =	shalt  }
.Lfunc_end2:
_tile_overlayer_lowered:
.L_overlay_start_2:
0x83: {  	(tag) =	ssettag $0x2  }
0x84: {  	s0 =	rddreg [dreg:$0x0];
	s2 =	stileid.u32  }
0x85: {  	s1 =	rddreg [dreg:$0x1];
	p0 =	sne.s32 s2, $0x0  }
0x86: {  	s3 =	rddreg [dreg:$0x2];
	[bflag:$0x3] =	sbarrier.arrive $0xFFFF;
	s2 =	simm.s32 @!p0 $0x1C03  }
0x87: {  	[timem:s3], [sflag:s2] =	dma.local @!p0 [hbm:s0], s1  }
0x88: {  	s0 =	simm.s32 @!p0 $0x3  }
0x89: {  	_ =	swait.ge @!p0 [sflag:s0], s1  }
0x8a: {  	s1 =	ssub.s32 @!p0 $0x0, s1;
	[sflag:s0] =	ssyncset.done @!p0 $0x0  }
0x8b: {  	[sflag:s0] =	ssyncadd.s32 @!p0 s1  }
0x8c: {  	[bflag:$0x3] =	sbarrier.arrive $0xFFFF  }
0x8d: {  	_ =	shalt  }

</sc_bundles>
